<compile_context>
chip_gen: v7x
topology: tpu7x:2x2x1
jax: 0.10.2.dev20260603
libtpu: 0.0.44.dev20260713+nightly
codegen_flags: <defaults>
</compile_context>

<pallas_src>
import functools

import jax
import jax.numpy as jnp
from jax import lax
from jax.experimental import pallas as pl
from jax.experimental.pallas import tpu as pltpu
from jax.experimental.pallas import tpu_sc as plsc

NUM_ROWS = 21
D_MODEL = 128

_NC = 2
_NS = 16
_NW = _NC * _NS

_B = 4096 * 100
_B_PER_W = _B // _NW
_CHUNK = 128
_N_CHUNKS = _B_PER_W // _CHUNK
_NBUF = 5
_FIRE_AHEAD = 3
_N_OUTER = _N_CHUNKS // _NBUF


def _emb_body(idx_hbm, table_hbm, out_hbm, idx_v, table_sp,
              b0, b1, b2, b3, b4,
              gs0, gs1, gs2, gs3, gs4, ws0, ws1, ws2, ws3, ws4):
    sid = lax.axis_index("s")
    wid = sid * _NC + lax.axis_index("c")
    bufs = (b0, b1, b2, b3, b4)
    gs = (gs0, gs1, gs2, gs3, gs4)
    ws = (ws0, ws1, ws2, ws3, ws4)

    pl.when(sid == 0)(lambda: pltpu.sync_copy(table_hbm, table_sp))

    pltpu.sync_copy(idx_hbm.at[wid], idx_v)
    plsc.subcore_barrier()

    def fire_gather(s, buf, sem):
        pltpu.make_async_copy(table_sp.at[idx_v.at[s]], buf, sem).start()

    def wait_gather(buf, sem):
        pltpu.make_async_copy(table_sp.at[idx_v.at[0]], buf, sem).wait()

    def fire_write(s, buf, sem):
        pltpu.make_async_copy(buf, out_hbm.at[wid, s], sem).start()

    def wait_write(buf, sem):
        pltpu.make_async_copy(buf, out_hbm.at[wid, 0], sem).wait()

    def body(i, carry):
        for b in range(_NBUF):
            j = _NBUF * i + b
            kb = (b + _FIRE_AHEAD) % _NBUF
            k = j + _FIRE_AHEAD
            wait_gather(bufs[b], gs[b])
            fire_write(j, bufs[b], ws[b])
            if b < _NBUF - _FIRE_AHEAD:
                pl.when(i >= 1)(lambda: wait_write(bufs[kb], ws[kb]))
                fire_gather(k, bufs[kb], gs[kb])
            else:
                def wait_then_fire(kb=kb, k=k):
                    wait_write(bufs[kb], ws[kb])
                    fire_gather(k, bufs[kb], gs[kb])
                pl.when(i < _N_OUTER - 1)(wait_then_fire)
        return carry

    for s in range(_FIRE_AHEAD):
        fire_gather(s, bufs[s], gs[s])
    lax.fori_loop(0, _N_OUTER, body, 0)
    for b in range(_NBUF):
        wait_write(bufs[b], ws[b])


_emb = functools.partial(
    pl.kernel,
    out_type=jax.ShapeDtypeStruct((_NW, _N_CHUNKS, _CHUNK, D_MODEL), jnp.float32),
    mesh=plsc.VectorSubcoreMesh(core_axis_name="c", subcore_axis_name="s"),
    scratch_types=[
        pltpu.VMEM((_N_CHUNKS, _CHUNK), jnp.int32),
        pltpu.VMEM_SHARED((NUM_ROWS, D_MODEL), jnp.float32),
        pltpu.VMEM((_CHUNK, D_MODEL), jnp.float32),
        pltpu.VMEM((_CHUNK, D_MODEL), jnp.float32),
        pltpu.VMEM((_CHUNK, D_MODEL), jnp.float32),
        pltpu.VMEM((_CHUNK, D_MODEL), jnp.float32),
        pltpu.VMEM((_CHUNK, D_MODEL), jnp.float32),
        pltpu.SemaphoreType.DMA,
        pltpu.SemaphoreType.DMA,
        pltpu.SemaphoreType.DMA,
        pltpu.SemaphoreType.DMA,
        pltpu.SemaphoreType.DMA,
        pltpu.SemaphoreType.DMA,
        pltpu.SemaphoreType.DMA,
        pltpu.SemaphoreType.DMA,
        pltpu.SemaphoreType.DMA,
        pltpu.SemaphoreType.DMA,
    ],
)(_emb_body)


def kernel(sensor_indices, embedding_table):
    b, t = sensor_indices.shape
    idx = sensor_indices.T.reshape(_NW, _N_CHUNKS, _CHUNK).astype(jnp.int32)
    out = _emb(idx, embedding_table)
    return out.reshape(t, b, D_MODEL).transpose(1, 0, 2)

# --- scband reference (transcript-rebuilt; emitter-appended) ---
"""Pipeline reference for scband-sensor-embedding-79285096284400 (READ-ONLY COPY).

The authoritative reference and input builder live on the scoring server;
editing this copy changes nothing except your own understanding.
"""

import jax, jax.numpy as jnp
import numpy as np

NUM_SENSOR_MODELS = 21
D_MODEL = 128

def setup_inputs(seed: int = 0) -> dict:
    key = jax.random.key(seed)
    k_idx, k_emb = jax.random.split(key)
    sensor_indices = jax.random.randint(k_idx, (4096, 100), 0, NUM_SENSOR_MODELS, dtype=jnp.int64 if jax.config.jax_enable_x64 else jnp.int32)
    embedding_table = jax.random.normal(k_emb, (NUM_SENSOR_MODELS, D_MODEL), dtype=jnp.float32)
    return {"sensor_indices": sensor_indices, "embedding_table": embedding_table}

def reference(sensor_indices, embedding_table):
    # Faithful to nn.Embedding: row gather from the table
    return jnp.take(embedding_table, sensor_indices, axis=0)

if __name__ == "__main__":
    import jax
    _d = setup_inputs()
    print(jax.jit(kernel)(*tuple(_d.values())))

</pallas_src>

<mosaic_0001>
#map = affine_map<(d0, d1) -> (0, 0, 0)>
#map1 = affine_map<(d0, d1) -> (0, 0)>
#map2 = affine_map<(d0, d1) -> (0, 0, 0, 0)>
module attributes {stable_mosaic.version = 14 : i64} {
  func.func @_emb_body(%arg0: i32, %arg1: i32, %arg2: memref<32x100x128xi32, #tpu.memory_space<hbm>>, %arg3: memref<21x128xf32, #tpu.memory_space<hbm>>, %arg4: memref<32x100x128x128xf32, #tpu.memory_space<hbm>>, %arg5: memref<100x128xi32, #tpu.memory_space<vmem>>, %arg6: memref<21x128xf32, #tpu.memory_space<vmem_shared>>, %arg7: memref<128x128xf32, #tpu.memory_space<vmem>>, %arg8: memref<128x128xf32, #tpu.memory_space<vmem>>, %arg9: memref<128x128xf32, #tpu.memory_space<vmem>>, %arg10: memref<128x128xf32, #tpu.memory_space<vmem>>, %arg11: memref<128x128xf32, #tpu.memory_space<vmem>>, %arg12: memref<!tpu.dma_semaphore, #tpu.memory_space<semaphore_mem>>, %arg13: memref<!tpu.dma_semaphore, #tpu.memory_space<semaphore_mem>>, %arg14: memref<!tpu.dma_semaphore, #tpu.memory_space<semaphore_mem>>, %arg15: memref<!tpu.dma_semaphore, #tpu.memory_space<semaphore_mem>>, %arg16: memref<!tpu.dma_semaphore, #tpu.memory_space<semaphore_mem>>, %arg17: memref<!tpu.dma_semaphore, #tpu.memory_space<semaphore_mem>>, %arg18: memref<!tpu.dma_semaphore, #tpu.memory_space<semaphore_mem>>, %arg19: memref<!tpu.dma_semaphore, #tpu.memory_space<semaphore_mem>>, %arg20: memref<!tpu.dma_semaphore, #tpu.memory_space<semaphore_mem>>, %arg21: memref<!tpu.dma_semaphore, #tpu.memory_space<semaphore_mem>>) attributes {dimension_semantics = [#tpu.dimension_semantics<core_parallel>, #tpu.dimension_semantics<subcore_parallel>], iteration_bounds = array<i64: 2, 16>, scalar_prefetch = 0 : i64, scratch_operands = 17 : i64, tpu.core_type = #tpu.core_type<sc_vector_subcore>, window_params = [{transform_indices = #map}, {transform_indices = #map1}, {transform_indices = #map2}]} {
    %mul3A = arith.constant 2 : i32
    %mul3A_0 = arith.muli %arg1, %mul3A : i32
    %add3A = arith.addi %mul3A_0, %arg0 : i32
    %eq3A = arith.constant 0 : i32
    %eq3A_1 = arith.cmpi eq, %arg1, %eq3A : i32
    %convert_element_type3A = arith.extui %eq3A_1 : i1 to i32
    %cond3A = arith.constant 0 : i32
    %cond3A_2 = arith.cmpi ne, %convert_element_type3A, %cond3A : i32
    scf.if %cond3A_2 {
      "tpu.region"() ({
        %run_scoped3A = tpu.sem_alloc : memref<!tpu.dma_semaphore, #tpu.memory_space<semaphore_mem>>
        tpu.enqueue_dma source(%arg3 : memref<21x128xf32, #tpu.memory_space<hbm>>) target(%arg6 : memref<21x128xf32, #tpu.memory_space<vmem_shared>>) target_semaphore(%run_scoped3A : memref<!tpu.dma_semaphore, #tpu.memory_space<semaphore_mem>>)
        tpu.wait_dma2 semaphore(%run_scoped3A : memref<!tpu.dma_semaphore, #tpu.memory_space<semaphore_mem>>) src(%arg3 : memref<21x128xf32, #tpu.memory_space<hbm>>) dst(%arg6 : memref<21x128xf32, #tpu.memory_space<vmem_shared>>)
        tpu.yield
      }) : () -> ()
    } else {
    }
    "tpu.region"() ({
      %run_scoped3A = tpu.sem_alloc : memref<!tpu.dma_semaphore, #tpu.memory_space<semaphore_mem>>
      %dma_start3A_72 = arith.constant 0 : i32
      %dma_start3A_73 = arith.constant 0 : i32
      %dma_start3A_74 = tpu.memref_slice %arg2[%add3A, %dma_start3A_72, %dma_start3A_73] : memref<32x100x128xi32, #tpu.memory_space<hbm>> -> memref<1x100x128xi32, #tpu.memory_space<hbm>>
      %dma_start3A_75 = tpu.memref_squeeze %dma_start3A_74 : memref<1x100x128xi32, #tpu.memory_space<hbm>> -> memref<100x128xi32, #tpu.memory_space<hbm>>
      %dma_start3A_76 = arith.constant 0 : i32
      %dma_start3A_77 = arith.constant 0 : i32
      %dma_start3A_78 = tpu.memref_slice %arg2[%add3A, %dma_start3A_76, %dma_start3A_77] : memref<32x100x128xi32, #tpu.memory_space<hbm>> -> memref<1x100x128xi32, #tpu.memory_space<hbm>>
      %dma_start3A_79 = tpu.memref_squeeze %dma_start3A_78 : memref<1x100x128xi32, #tpu.memory_space<hbm>> -> memref<100x128xi32, #tpu.memory_space<hbm>>
      tpu.enqueue_dma source(%dma_start3A_79 : memref<100x128xi32, #tpu.memory_space<hbm>>) target(%arg5 : memref<100x128xi32, #tpu.memory_space<vmem>>) target_semaphore(%run_scoped3A : memref<!tpu.dma_semaphore, #tpu.memory_space<semaphore_mem>>)
      %dma_wait3A_80 = arith.constant 0 : i32
      %dma_wait3A_81 = arith.constant 0 : i32
      %dma_wait3A_82 = tpu.memref_slice %arg2[%add3A, %dma_wait3A_80, %dma_wait3A_81] : memref<32x100x128xi32, #tpu.memory_space<hbm>> -> memref<1x100x128xi32, #tpu.memory_space<hbm>>
      %dma_wait3A_83 = tpu.memref_squeeze %dma_wait3A_82 : memref<1x100x128xi32, #tpu.memory_space<hbm>> -> memref<100x128xi32, #tpu.memory_space<hbm>>
      %dma_wait3A_84 = arith.constant 0 : i32
      %dma_wait3A_85 = arith.constant 0 : i32
      %dma_wait3A_86 = tpu.memref_slice %arg2[%add3A, %dma_wait3A_84, %dma_wait3A_85] : memref<32x100x128xi32, #tpu.memory_space<hbm>> -> memref<1x100x128xi32, #tpu.memory_space<hbm>>
      %dma_wait3A_87 = tpu.memref_squeeze %dma_wait3A_86 : memref<1x100x128xi32, #tpu.memory_space<hbm>> -> memref<100x128xi32, #tpu.memory_space<hbm>>
      tpu.wait_dma2 semaphore(%run_scoped3A : memref<!tpu.dma_semaphore, #tpu.memory_space<semaphore_mem>>) src(%dma_wait3A_87 : memref<100x128xi32, #tpu.memory_space<hbm>>) dst(%arg5 : memref<100x128xi32, #tpu.memory_space<vmem>>)
      tpu.yield
    }) : () -> ()
    %barrier3A = arith.constant 0 : index
    tpu.barrier barrier_id(%barrier3A)
    %dma_start3A = arith.constant 0 : i32
    %dma_start3A_3 = arith.constant 0 : i32
    %dma_start3A_4 = tpu.memref_slice %arg5[%dma_start3A, %dma_start3A_3] : memref<100x128xi32, #tpu.memory_space<vmem>> -> memref<1x128xi32, #tpu.memory_space<vmem>>
    %dma_start3A_5 = tpu.memref_squeeze %dma_start3A_4 : memref<1x128xi32, #tpu.memory_space<vmem>> -> memref<128xi32, #tpu.memory_space<vmem>>
    %dma_start3A_6 = arith.constant 0 : i32
    %dma_start3A_7 = arith.constant 0 : i32
    %dma_start3A_8 = tpu.memref_slice %arg6[%dma_start3A_6, %dma_start3A_7] : memref<21x128xf32, #tpu.memory_space<vmem_shared>> -> memref<21x128xf32, #tpu.memory_space<vmem_shared>>
    tpu.enqueue_indirect_dma source(%dma_start3A_8 : memref<21x128xf32, #tpu.memory_space<vmem_shared>>) target(%arg7 : memref<128x128xf32, #tpu.memory_space<vmem>>) offsets(%dma_start3A_5 : memref<128xi32, #tpu.memory_space<vmem>>) semaphore(%arg12 : memref<!tpu.dma_semaphore, #tpu.memory_space<semaphore_mem>>)
    %dma_start3A_9 = arith.constant 1 : i32
    %dma_start3A_10 = arith.constant 0 : i32
    %dma_start3A_11 = tpu.memref_slice %arg5[%dma_start3A_9, %dma_start3A_10] : memref<100x128xi32, #tpu.memory_space<vmem>> -> memref<1x128xi32, #tpu.memory_space<vmem>>
    %dma_start3A_12 = tpu.memref_squeeze %dma_start3A_11 : memref<1x128xi32, #tpu.memory_space<vmem>> -> memref<128xi32, #tpu.memory_space<vmem>>
    %dma_start3A_13 = arith.constant 0 : i32
    %dma_start3A_14 = arith.constant 0 : i32
    %dma_start3A_15 = tpu.memref_slice %arg6[%dma_start3A_13, %dma_start3A_14] : memref<21x128xf32, #tpu.memory_space<vmem_shared>> -> memref<21x128xf32, #tpu.memory_space<vmem_shared>>
    tpu.enqueue_indirect_dma source(%dma_start3A_15 : memref<21x128xf32, #tpu.memory_space<vmem_shared>>) target(%arg8 : memref<128x128xf32, #tpu.memory_space<vmem>>) offsets(%dma_start3A_12 : memref<128xi32, #tpu.memory_space<vmem>>) semaphore(%arg13 : memref<!tpu.dma_semaphore, #tpu.memory_space<semaphore_mem>>)
    %dma_start3A_16 = arith.constant 2 : i32
    %dma_start3A_17 = arith.constant 0 : i32
    %dma_start3A_18 = tpu.memref_slice %arg5[%dma_start3A_16, %dma_start3A_17] : memref<100x128xi32, #tpu.memory_space<vmem>> -> memref<1x128xi32, #tpu.memory_space<vmem>>
    %dma_start3A_19 = tpu.memref_squeeze %dma_start3A_18 : memref<1x128xi32, #tpu.memory_space<vmem>> -> memref<128xi32, #tpu.memory_space<vmem>>
    %dma_start3A_20 = arith.constant 0 : i32
    %dma_start3A_21 = arith.constant 0 : i32
    %dma_start3A_22 = tpu.memref_slice %arg6[%dma_start3A_20, %dma_start3A_21] : memref<21x128xf32, #tpu.memory_space<vmem_shared>> -> memref<21x128xf32, #tpu.memory_space<vmem_shared>>
    tpu.enqueue_indirect_dma source(%dma_start3A_22 : memref<21x128xf32, #tpu.memory_space<vmem_shared>>) target(%arg9 : memref<128x128xf32, #tpu.memory_space<vmem>>) offsets(%dma_start3A_19 : memref<128xi32, #tpu.memory_space<vmem>>) semaphore(%arg14 : memref<!tpu.dma_semaphore, #tpu.memory_space<semaphore_mem>>)
    %scan3A = arith.constant 0 : i32
    %scan3A_23 = arith.constant 0 : i32
    %scan3A_24 = arith.constant 20 : i32
    %scan3A_25 = arith.addi %scan3A_23, %scan3A_24 : i32
    %scan3A_26 = arith.constant 1 : i32
    scf.for %scan3A_72 = %scan3A_23 to %scan3A_25 step %scan3A_26  : i32 {
      %mul3A_73 = arith.constant 5 : i32
      %mul3A_74 = arith.muli %mul3A_73, %scan3A_72 : i32
      %add3A_75 = arith.constant 0 : i32
      %add3A_76 = arith.addi %mul3A_74, %add3A_75 : i32
      %add3A_77 = arith.constant 3 : i32
      %add3A_78 = arith.addi %add3A_76, %add3A_77 : i32
      %dma_wait3A_79 = arith.constant 0 : i32
      %dma_wait3A_80 = arith.constant 0 : i32
      %dma_wait3A_81 = tpu.memref_slice %arg5[%dma_wait3A_79, %dma_wait3A_80] : memref<100x128xi32, #tpu.memory_space<vmem>> -> memref<1x128xi32, #tpu.memory_space<vmem>>
      %dma_wait3A_82 = tpu.memref_squeeze %dma_wait3A_81 : memref<1x128xi32, #tpu.memory_space<vmem>> -> memref<128xi32, #tpu.memory_space<vmem>>
      %dma_wait3A_83 = arith.constant 0 : i32
      %dma_wait3A_84 = arith.constant 0 : i32
      %dma_wait3A_85 = tpu.memref_slice %arg6[%dma_wait3A_83, %dma_wait3A_84] : memref<21x128xf32, #tpu.memory_space<vmem_shared>> -> memref<21x128xf32, #tpu.memory_space<vmem_shared>>
      tpu.wait_indirect_dma semaphore(%arg12 : memref<!tpu.dma_semaphore, #tpu.memory_space<semaphore_mem>>) src(%dma_wait3A_85 : memref<21x128xf32, #tpu.memory_space<vmem_shared>>) dst(%arg7 : memref<128x128xf32, #tpu.memory_space<vmem>>)
      %dma_start3A_86 = arith.constant 0 : i32
      %dma_start3A_87 = arith.constant 0 : i32
      %dma_start3A_88 = tpu.memref_slice %arg4[%add3A, %add3A_76, %dma_start3A_86, %dma_start3A_87] : memref<32x100x128x128xf32, #tpu.memory_space<hbm>> -> memref<1x1x128x128xf32, #tpu.memory_space<hbm>>
      %dma_start3A_89 = tpu.memref_squeeze %dma_start3A_88 : memref<1x1x128x128xf32, #tpu.memory_space<hbm>> -> memref<128x128xf32, #tpu.memory_space<hbm>>
      %dma_start3A_90 = arith.constant 0 : i32
      %dma_start3A_91 = arith.constant 0 : i32
      %dma_start3A_92 = tpu.memref_slice %arg4[%add3A, %add3A_76, %dma_start3A_90, %dma_start3A_91] : memref<32x100x128x128xf32, #tpu.memory_space<hbm>> -> memref<1x1x128x128xf32, #tpu.memory_space<hbm>>
      %dma_start3A_93 = tpu.memref_squeeze %dma_start3A_92 : memref<1x1x128x128xf32, #tpu.memory_space<hbm>> -> memref<128x128xf32, #tpu.memory_space<hbm>>
      tpu.enqueue_dma source(%arg7 : memref<128x128xf32, #tpu.memory_space<vmem>>) target(%dma_start3A_93 : memref<128x128xf32, #tpu.memory_space<hbm>>) target_semaphore(%arg17 : memref<!tpu.dma_semaphore, #tpu.memory_space<semaphore_mem>>)
      %ge3A = arith.constant 1 : i32
      %ge3A_94 = arith.cmpi sge, %scan3A_72, %ge3A : i32
      %convert_element_type3A_95 = arith.extui %ge3A_94 : i1 to i32
      %cond3A_96 = arith.constant 0 : i32
      %cond3A_97 = arith.cmpi ne, %convert_element_type3A_95, %cond3A_96 : i32
      scf.if %cond3A_97 {
        %dma_wait3A_213 = arith.constant 0 : i32
        %dma_wait3A_214 = arith.constant 0 : i32
        %dma_wait3A_215 = arith.constant 0 : i32
        %dma_wait3A_216 = tpu.memref_slice %arg4[%add3A, %dma_wait3A_213, %dma_wait3A_214, %dma_wait3A_215] : memref<32x100x128x128xf32, #tpu.memory_space<hbm>> -> memref<1x1x128x128xf32, #tpu.memory_space<hbm>>
        %dma_wait3A_217 = tpu.memref_squeeze %dma_wait3A_216 : memref<1x1x128x128xf32, #tpu.memory_space<hbm>> -> memref<128x128xf32, #tpu.memory_space<hbm>>
        %dma_wait3A_218 = arith.constant 0 : i32
        %dma_wait3A_219 = arith.constant 0 : i32
        %dma_wait3A_220 = tpu.memref_slice %arg4[%add3A, %dma_wait3A_213, %dma_wait3A_218, %dma_wait3A_219] : memref<32x100x128x128xf32, #tpu.memory_space<hbm>> -> memref<1x1x128x128xf32, #tpu.memory_space<hbm>>
        %dma_wait3A_221 = tpu.memref_squeeze %dma_wait3A_220 : memref<1x1x128x128xf32, #tpu.memory_space<hbm>> -> memref<128x128xf32, #tpu.memory_space<hbm>>
        tpu.wait_dma2 semaphore(%arg20 : memref<!tpu.dma_semaphore, #tpu.memory_space<semaphore_mem>>) src(%arg10 : memref<128x128xf32, #tpu.memory_space<vmem>>) dst(%dma_wait3A_221 : memref<128x128xf32, #tpu.memory_space<hbm>>)
      } else {
      }
      %dma_start3A_98 = arith.constant 0 : i32
      %dma_start3A_99 = tpu.memref_slice %arg5[%add3A_78, %dma_start3A_98] : memref<100x128xi32, #tpu.memory_space<vmem>> -> memref<1x128xi32, #tpu.memory_space<vmem>>
      %dma_start3A_100 = tpu.memref_squeeze %dma_start3A_99 : memref<1x128xi32, #tpu.memory_space<vmem>> -> memref<128xi32, #tpu.memory_space<vmem>>
      %dma_start3A_101 = arith.constant 0 : i32
      %dma_start3A_102 = arith.constant 0 : i32
      %dma_start3A_103 = tpu.memref_slice %arg6[%dma_start3A_101, %dma_start3A_102] : memref<21x128xf32, #tpu.memory_space<vmem_shared>> -> memref<21x128xf32, #tpu.memory_space<vmem_shared>>
      tpu.enqueue_indirect_dma source(%dma_start3A_103 : memref<21x128xf32, #tpu.memory_space<vmem_shared>>) target(%arg10 : memref<128x128xf32, #tpu.memory_space<vmem>>) offsets(%dma_start3A_100 : memref<128xi32, #tpu.memory_space<vmem>>) semaphore(%arg15 : memref<!tpu.dma_semaphore, #tpu.memory_space<semaphore_mem>>)
      %mul3A_104 = arith.constant 5 : i32
      %mul3A_105 = arith.muli %mul3A_104, %scan3A_72 : i32
      %add3A_106 = arith.constant 1 : i32
      %add3A_107 = arith.addi %mul3A_105, %add3A_106 : i32
      %add3A_108 = arith.constant 3 : i32
      %add3A_109 = arith.addi %add3A_107, %add3A_108 : i32
      %dma_wait3A_110 = arith.constant 0 : i32
      %dma_wait3A_111 = arith.constant 0 : i32
      %dma_wait3A_112 = tpu.memref_slice %arg5[%dma_wait3A_110, %dma_wait3A_111] : memref<100x128xi32, #tpu.memory_space<vmem>> -> memref<1x128xi32, #tpu.memory_space<vmem>>
      %dma_wait3A_113 = tpu.memref_squeeze %dma_wait3A_112 : memref<1x128xi32, #tpu.memory_space<vmem>> -> memref<128xi32, #tpu.memory_space<vmem>>
      %dma_wait3A_114 = arith.constant 0 : i32
      %dma_wait3A_115 = arith.constant 0 : i32
      %dma_wait3A_116 = tpu.memref_slice %arg6[%dma_wait3A_114, %dma_wait3A_115] : memref<21x128xf32, #tpu.memory_space<vmem_shared>> -> memref<21x128xf32, #tpu.memory_space<vmem_shared>>
      tpu.wait_indirect_dma semaphore(%arg13 : memref<!tpu.dma_semaphore, #tpu.memory_space<semaphore_mem>>) src(%dma_wait3A_116 : memref<21x128xf32, #tpu.memory_space<vmem_shared>>) dst(%arg8 : memref<128x128xf32, #tpu.memory_space<vmem>>)
      %dma_start3A_117 = arith.constant 0 : i32
      %dma_start3A_118 = arith.constant 0 : i32
      %dma_start3A_119 = tpu.memref_slice %arg4[%add3A, %add3A_107, %dma_start3A_117, %dma_start3A_118] : memref<32x100x128x128xf32, #tpu.memory_space<hbm>> -> memref<1x1x128x128xf32, #tpu.memory_space<hbm>>
      %dma_start3A_120 = tpu.memref_squeeze %dma_start3A_119 : memref<1x1x128x128xf32, #tpu.memory_space<hbm>> -> memref<128x128xf32, #tpu.memory_space<hbm>>
      %dma_start3A_121 = arith.constant 0 : i32
      %dma_start3A_122 = arith.constant 0 : i32
      %dma_start3A_123 = tpu.memref_slice %arg4[%add3A, %add3A_107, %dma_start3A_121, %dma_start3A_122] : memref<32x100x128x128xf32, #tpu.memory_space<hbm>> -> memref<1x1x128x128xf32, #tpu.memory_space<hbm>>
      %dma_start3A_124 = tpu.memref_squeeze %dma_start3A_123 : memref<1x1x128x128xf32, #tpu.memory_space<hbm>> -> memref<128x128xf32, #tpu.memory_space<hbm>>
      tpu.enqueue_dma source(%arg8 : memref<128x128xf32, #tpu.memory_space<vmem>>) target(%dma_start3A_124 : memref<128x128xf32, #tpu.memory_space<hbm>>) target_semaphore(%arg18 : memref<!tpu.dma_semaphore, #tpu.memory_space<semaphore_mem>>)
      %ge3A_125 = arith.constant 1 : i32
      %ge3A_126 = arith.cmpi sge, %scan3A_72, %ge3A_125 : i32
      %convert_element_type3A_127 = arith.extui %ge3A_126 : i1 to i32
      %cond3A_128 = arith.constant 0 : i32
      %cond3A_129 = arith.cmpi ne, %convert_element_type3A_127, %cond3A_128 : i32
      scf.if %cond3A_129 {
        %dma_wait3A_213 = arith.constant 0 : i32
        %dma_wait3A_214 = arith.constant 0 : i32
        %dma_wait3A_215 = arith.constant 0 : i32
        %dma_wait3A_216 = tpu.memref_slice %arg4[%add3A, %dma_wait3A_213, %dma_wait3A_214, %dma_wait3A_215] : memref<32x100x128x128xf32, #tpu.memory_space<hbm>> -> memref<1x1x128x128xf32, #tpu.memory_space<hbm>>
        %dma_wait3A_217 = tpu.memref_squeeze %dma_wait3A_216 : memref<1x1x128x128xf32, #tpu.memory_space<hbm>> -> memref<128x128xf32, #tpu.memory_space<hbm>>
        %dma_wait3A_218 = arith.constant 0 : i32
        %dma_wait3A_219 = arith.constant 0 : i32
        %dma_wait3A_220 = tpu.memref_slice %arg4[%add3A, %dma_wait3A_213, %dma_wait3A_218, %dma_wait3A_219] : memref<32x100x128x128xf32, #tpu.memory_space<hbm>> -> memref<1x1x128x128xf32, #tpu.memory_space<hbm>>
        %dma_wait3A_221 = tpu.memref_squeeze %dma_wait3A_220 : memref<1x1x128x128xf32, #tpu.memory_space<hbm>> -> memref<128x128xf32, #tpu.memory_space<hbm>>
        tpu.wait_dma2 semaphore(%arg21 : memref<!tpu.dma_semaphore, #tpu.memory_space<semaphore_mem>>) src(%arg11 : memref<128x128xf32, #tpu.memory_space<vmem>>) dst(%dma_wait3A_221 : memref<128x128xf32, #tpu.memory_space<hbm>>)
      } else {
      }
      %dma_start3A_130 = arith.constant 0 : i32
      %dma_start3A_131 = tpu.memref_slice %arg5[%add3A_109, %dma_start3A_130] : memref<100x128xi32, #tpu.memory_space<vmem>> -> memref<1x128xi32, #tpu.memory_space<vmem>>
      %dma_start3A_132 = tpu.memref_squeeze %dma_start3A_131 : memref<1x128xi32, #tpu.memory_space<vmem>> -> memref<128xi32, #tpu.memory_space<vmem>>
      %dma_start3A_133 = arith.constant 0 : i32
      %dma_start3A_134 = arith.constant 0 : i32
      %dma_start3A_135 = tpu.memref_slice %arg6[%dma_start3A_133, %dma_start3A_134] : memref<21x128xf32, #tpu.memory_space<vmem_shared>> -> memref<21x128xf32, #tpu.memory_space<vmem_shared>>
      tpu.enqueue_indirect_dma source(%dma_start3A_135 : memref<21x128xf32, #tpu.memory_space<vmem_shared>>) target(%arg11 : memref<128x128xf32, #tpu.memory_space<vmem>>) offsets(%dma_start3A_132 : memref<128xi32, #tpu.memory_space<vmem>>) semaphore(%arg16 : memref<!tpu.dma_semaphore, #tpu.memory_space<semaphore_mem>>)
      %mul3A_136 = arith.constant 5 : i32
      %mul3A_137 = arith.muli %mul3A_136, %scan3A_72 : i32
      %add3A_138 = arith.constant 2 : i32
      %add3A_139 = arith.addi %mul3A_137, %add3A_138 : i32
      %add3A_140 = arith.constant 3 : i32
      %add3A_141 = arith.addi %add3A_139, %add3A_140 : i32
      %dma_wait3A_142 = arith.constant 0 : i32
      %dma_wait3A_143 = arith.constant 0 : i32
      %dma_wait3A_144 = tpu.memref_slice %arg5[%dma_wait3A_142, %dma_wait3A_143] : memref<100x128xi32, #tpu.memory_space<vmem>> -> memref<1x128xi32, #tpu.memory_space<vmem>>
      %dma_wait3A_145 = tpu.memref_squeeze %dma_wait3A_144 : memref<1x128xi32, #tpu.memory_space<vmem>> -> memref<128xi32, #tpu.memory_space<vmem>>
      %dma_wait3A_146 = arith.constant 0 : i32
      %dma_wait3A_147 = arith.constant 0 : i32
      %dma_wait3A_148 = tpu.memref_slice %arg6[%dma_wait3A_146, %dma_wait3A_147] : memref<21x128xf32, #tpu.memory_space<vmem_shared>> -> memref<21x128xf32, #tpu.memory_space<vmem_shared>>
      tpu.wait_indirect_dma semaphore(%arg14 : memref<!tpu.dma_semaphore, #tpu.memory_space<semaphore_mem>>) src(%dma_wait3A_148 : memref<21x128xf32, #tpu.memory_space<vmem_shared>>) dst(%arg9 : memref<128x128xf32, #tpu.memory_space<vmem>>)
      %dma_start3A_149 = arith.constant 0 : i32
      %dma_start3A_150 = arith.constant 0 : i32
      %dma_start3A_151 = tpu.memref_slice %arg4[%add3A, %add3A_139, %dma_start3A_149, %dma_start3A_150] : memref<32x100x128x128xf32, #tpu.memory_space<hbm>> -> memref<1x1x128x128xf32, #tpu.memory_space<hbm>>
      %dma_start3A_152 = tpu.memref_squeeze %dma_start3A_151 : memref<1x1x128x128xf32, #tpu.memory_space<hbm>> -> memref<128x128xf32, #tpu.memory_space<hbm>>
      %dma_start3A_153 = arith.constant 0 : i32
      %dma_start3A_154 = arith.constant 0 : i32
      %dma_start3A_155 = tpu.memref_slice %arg4[%add3A, %add3A_139, %dma_start3A_153, %dma_start3A_154] : memref<32x100x128x128xf32, #tpu.memory_space<hbm>> -> memref<1x1x128x128xf32, #tpu.memory_space<hbm>>
      %dma_start3A_156 = tpu.memref_squeeze %dma_start3A_155 : memref<1x1x128x128xf32, #tpu.memory_space<hbm>> -> memref<128x128xf32, #tpu.memory_space<hbm>>
      tpu.enqueue_dma source(%arg9 : memref<128x128xf32, #tpu.memory_space<vmem>>) target(%dma_start3A_156 : memref<128x128xf32, #tpu.memory_space<hbm>>) target_semaphore(%arg19 : memref<!tpu.dma_semaphore, #tpu.memory_space<semaphore_mem>>)
      %lt3A = arith.constant 19 : i32
      %lt3A_157 = arith.cmpi slt, %scan3A_72, %lt3A : i32
      %convert_element_type3A_158 = arith.extui %lt3A_157 : i1 to i32
      %cond3A_159 = arith.constant 0 : i32
      %cond3A_160 = arith.cmpi ne, %convert_element_type3A_158, %cond3A_159 : i32
      scf.if %cond3A_160 {
        %dma_wait3A_213 = arith.constant 0 : i32
        %dma_wait3A_214 = arith.constant 0 : i32
        %dma_wait3A_215 = arith.constant 0 : i32
        %dma_wait3A_216 = tpu.memref_slice %arg4[%add3A, %dma_wait3A_213, %dma_wait3A_214, %dma_wait3A_215] : memref<32x100x128x128xf32, #tpu.memory_space<hbm>> -> memref<1x1x128x128xf32, #tpu.memory_space<hbm>>
        %dma_wait3A_217 = tpu.memref_squeeze %dma_wait3A_216 : memref<1x1x128x128xf32, #tpu.memory_space<hbm>> -> memref<128x128xf32, #tpu.memory_space<hbm>>
        %dma_wait3A_218 = arith.constant 0 : i32
        %dma_wait3A_219 = arith.constant 0 : i32
        %dma_wait3A_220 = tpu.memref_slice %arg4[%add3A, %dma_wait3A_213, %dma_wait3A_218, %dma_wait3A_219] : memref<32x100x128x128xf32, #tpu.memory_space<hbm>> -> memref<1x1x128x128xf32, #tpu.memory_space<hbm>>
        %dma_wait3A_221 = tpu.memref_squeeze %dma_wait3A_220 : memref<1x1x128x128xf32, #tpu.memory_space<hbm>> -> memref<128x128xf32, #tpu.memory_space<hbm>>
        tpu.wait_dma2 semaphore(%arg17 : memref<!tpu.dma_semaphore, #tpu.memory_space<semaphore_mem>>) src(%arg7 : memref<128x128xf32, #tpu.memory_space<vmem>>) dst(%dma_wait3A_221 : memref<128x128xf32, #tpu.memory_space<hbm>>)
        %dma_start3A_222 = arith.constant 0 : i32
        %dma_start3A_223 = tpu.memref_slice %arg5[%add3A_141, %dma_start3A_222] : memref<100x128xi32, #tpu.memory_space<vmem>> -> memref<1x128xi32, #tpu.memory_space<vmem>>
        %dma_start3A_224 = tpu.memref_squeeze %dma_start3A_223 : memref<1x128xi32, #tpu.memory_space<vmem>> -> memref<128xi32, #tpu.memory_space<vmem>>
        %dma_start3A_225 = arith.constant 0 : i32
        %dma_start3A_226 = arith.constant 0 : i32
        %dma_start3A_227 = tpu.memref_slice %arg6[%dma_start3A_225, %dma_start3A_226] : memref<21x128xf32, #tpu.memory_space<vmem_shared>> -> memref<21x128xf32, #tpu.memory_space<vmem_shared>>
        tpu.enqueue_indirect_dma source(%dma_start3A_227 : memref<21x128xf32, #tpu.memory_space<vmem_shared>>) target(%arg7 : memref<128x128xf32, #tpu.memory_space<vmem>>) offsets(%dma_start3A_224 : memref<128xi32, #tpu.memory_space<vmem>>) semaphore(%arg12 : memref<!tpu.dma_semaphore, #tpu.memory_space<semaphore_mem>>)
      } else {
      }
      %mul3A_161 = arith.constant 5 : i32
      %mul3A_162 = arith.muli %mul3A_161, %scan3A_72 : i32
      %add3A_163 = arith.constant 3 : i32
      %add3A_164 = arith.addi %mul3A_162, %add3A_163 : i32
      %add3A_165 = arith.constant 3 : i32
      %add3A_166 = arith.addi %add3A_164, %add3A_165 : i32
      %dma_wait3A_167 = arith.constant 0 : i32
      %dma_wait3A_168 = arith.constant 0 : i32
      %dma_wait3A_169 = tpu.memref_slice %arg5[%dma_wait3A_167, %dma_wait3A_168] : memref<100x128xi32, #tpu.memory_space<vmem>> -> memref<1x128xi32, #tpu.memory_space<vmem>>
      %dma_wait3A_170 = tpu.memref_squeeze %dma_wait3A_169 : memref<1x128xi32, #tpu.memory_space<vmem>> -> memref<128xi32, #tpu.memory_space<vmem>>
      %dma_wait3A_171 = arith.constant 0 : i32
      %dma_wait3A_172 = arith.constant 0 : i32
      %dma_wait3A_173 = tpu.memref_slice %arg6[%dma_wait3A_171, %dma_wait3A_172] : memref<21x128xf32, #tpu.memory_space<vmem_shared>> -> memref<21x128xf32, #tpu.memory_space<vmem_shared>>
      tpu.wait_indirect_dma semaphore(%arg15 : memref<!tpu.dma_semaphore, #tpu.memory_space<semaphore_mem>>) src(%dma_wait3A_173 : memref<21x128xf32, #tpu.memory_space<vmem_shared>>) dst(%arg10 : memref<128x128xf32, #tpu.memory_space<vmem>>)
      %dma_start3A_174 = arith.constant 0 : i32
      %dma_start3A_175 = arith.constant 0 : i32
      %dma_start3A_176 = tpu.memref_slice %arg4[%add3A, %add3A_164, %dma_start3A_174, %dma_start3A_175] : memref<32x100x128x128xf32, #tpu.memory_space<hbm>> -> memref<1x1x128x128xf32, #tpu.memory_space<hbm>>
      %dma_start3A_177 = tpu.memref_squeeze %dma_start3A_176 : memref<1x1x128x128xf32, #tpu.memory_space<hbm>> -> memref<128x128xf32, #tpu.memory_space<hbm>>
      %dma_start3A_178 = arith.constant 0 : i32
      %dma_start3A_179 = arith.constant 0 : i32
      %dma_start3A_180 = tpu.memref_slice %arg4[%add3A, %add3A_164, %dma_start3A_178, %dma_start3A_179] : memref<32x100x128x128xf32, #tpu.memory_space<hbm>> -> memref<1x1x128x128xf32, #tpu.memory_space<hbm>>
      %dma_start3A_181 = tpu.memref_squeeze %dma_start3A_180 : memref<1x1x128x128xf32, #tpu.memory_space<hbm>> -> memref<128x128xf32, #tpu.memory_space<hbm>>
      tpu.enqueue_dma source(%arg10 : memref<128x128xf32, #tpu.memory_space<vmem>>) target(%dma_start3A_181 : memref<128x128xf32, #tpu.memory_space<hbm>>) target_semaphore(%arg20 : memref<!tpu.dma_semaphore, #tpu.memory_space<semaphore_mem>>)
      %lt3A_182 = arith.constant 19 : i32
      %lt3A_183 = arith.cmpi slt, %scan3A_72, %lt3A_182 : i32
      %convert_element_type3A_184 = arith.extui %lt3A_183 : i1 to i32
      %cond3A_185 = arith.constant 0 : i32
      %cond3A_186 = arith.cmpi ne, %convert_element_type3A_184, %cond3A_185 : i32
      scf.if %cond3A_186 {
        %dma_wait3A_213 = arith.constant 0 : i32
        %dma_wait3A_214 = arith.constant 0 : i32
        %dma_wait3A_215 = arith.constant 0 : i32
        %dma_wait3A_216 = tpu.memref_slice %arg4[%add3A, %dma_wait3A_213, %dma_wait3A_214, %dma_wait3A_215] : memref<32x100x128x128xf32, #tpu.memory_space<hbm>> -> memref<1x1x128x128xf32, #tpu.memory_space<hbm>>
        %dma_wait3A_217 = tpu.memref_squeeze %dma_wait3A_216 : memref<1x1x128x128xf32, #tpu.memory_space<hbm>> -> memref<128x128xf32, #tpu.memory_space<hbm>>
        %dma_wait3A_218 = arith.constant 0 : i32
        %dma_wait3A_219 = arith.constant 0 : i32
        %dma_wait3A_220 = tpu.memref_slice %arg4[%add3A, %dma_wait3A_213, %dma_wait3A_218, %dma_wait3A_219] : memref<32x100x128x128xf32, #tpu.memory_space<hbm>> -> memref<1x1x128x128xf32, #tpu.memory_space<hbm>>
        %dma_wait3A_221 = tpu.memref_squeeze %dma_wait3A_220 : memref<1x1x128x128xf32, #tpu.memory_space<hbm>> -> memref<128x128xf32, #tpu.memory_space<hbm>>
        tpu.wait_dma2 semaphore(%arg18 : memref<!tpu.dma_semaphore, #tpu.memory_space<semaphore_mem>>) src(%arg8 : memref<128x128xf32, #tpu.memory_space<vmem>>) dst(%dma_wait3A_221 : memref<128x128xf32, #tpu.memory_space<hbm>>)
        %dma_start3A_222 = arith.constant 0 : i32
        %dma_start3A_223 = tpu.memref_slice %arg5[%add3A_166, %dma_start3A_222] : memref<100x128xi32, #tpu.memory_space<vmem>> -> memref<1x128xi32, #tpu.memory_space<vmem>>
        %dma_start3A_224 = tpu.memref_squeeze %dma_start3A_223 : memref<1x128xi32, #tpu.memory_space<vmem>> -> memref<128xi32, #tpu.memory_space<vmem>>
        %dma_start3A_225 = arith.constant 0 : i32
        %dma_start3A_226 = arith.constant 0 : i32
        %dma_start3A_227 = tpu.memref_slice %arg6[%dma_start3A_225, %dma_start3A_226] : memref<21x128xf32, #tpu.memory_space<vmem_shared>> -> memref<21x128xf32, #tpu.memory_space<vmem_shared>>
        tpu.enqueue_indirect_dma source(%dma_start3A_227 : memref<21x128xf32, #tpu.memory_space<vmem_shared>>) target(%arg8 : memref<128x128xf32, #tpu.memory_space<vmem>>) offsets(%dma_start3A_224 : memref<128xi32, #tpu.memory_space<vmem>>) semaphore(%arg13 : memref<!tpu.dma_semaphore, #tpu.memory_space<semaphore_mem>>)
      } else {
      }
      %mul3A_187 = arith.constant 5 : i32
      %mul3A_188 = arith.muli %mul3A_187, %scan3A_72 : i32
      %add3A_189 = arith.constant 4 : i32
      %add3A_190 = arith.addi %mul3A_188, %add3A_189 : i32
      %add3A_191 = arith.constant 3 : i32
      %add3A_192 = arith.addi %add3A_190, %add3A_191 : i32
      %dma_wait3A_193 = arith.constant 0 : i32
      %dma_wait3A_194 = arith.constant 0 : i32
      %dma_wait3A_195 = tpu.memref_slice %arg5[%dma_wait3A_193, %dma_wait3A_194] : memref<100x128xi32, #tpu.memory_space<vmem>> -> memref<1x128xi32, #tpu.memory_space<vmem>>
      %dma_wait3A_196 = tpu.memref_squeeze %dma_wait3A_195 : memref<1x128xi32, #tpu.memory_space<vmem>> -> memref<128xi32, #tpu.memory_space<vmem>>
      %dma_wait3A_197 = arith.constant 0 : i32
      %dma_wait3A_198 = arith.constant 0 : i32
      %dma_wait3A_199 = tpu.memref_slice %arg6[%dma_wait3A_197, %dma_wait3A_198] : memref<21x128xf32, #tpu.memory_space<vmem_shared>> -> memref<21x128xf32, #tpu.memory_space<vmem_shared>>
      tpu.wait_indirect_dma semaphore(%arg16 : memref<!tpu.dma_semaphore, #tpu.memory_space<semaphore_mem>>) src(%dma_wait3A_199 : memref<21x128xf32, #tpu.memory_space<vmem_shared>>) dst(%arg11 : memref<128x128xf32, #tpu.memory_space<vmem>>)
      %dma_start3A_200 = arith.constant 0 : i32
      %dma_start3A_201 = arith.constant 0 : i32
      %dma_start3A_202 = tpu.memref_slice %arg4[%add3A, %add3A_190, %dma_start3A_200, %dma_start3A_201] : memref<32x100x128x128xf32, #tpu.memory_space<hbm>> -> memref<1x1x128x128xf32, #tpu.memory_space<hbm>>
      %dma_start3A_203 = tpu.memref_squeeze %dma_start3A_202 : memref<1x1x128x128xf32, #tpu.memory_space<hbm>> -> memref<128x128xf32, #tpu.memory_space<hbm>>
      %dma_start3A_204 = arith.constant 0 : i32
      %dma_start3A_205 = arith.constant 0 : i32
      %dma_start3A_206 = tpu.memref_slice %arg4[%add3A, %add3A_190, %dma_start3A_204, %dma_start3A_205] : memref<32x100x128x128xf32, #tpu.memory_space<hbm>> -> memref<1x1x128x128xf32, #tpu.memory_space<hbm>>
      %dma_start3A_207 = tpu.memref_squeeze %dma_start3A_206 : memref<1x1x128x128xf32, #tpu.memory_space<hbm>> -> memref<128x128xf32, #tpu.memory_space<hbm>>
      tpu.enqueue_dma source(%arg11 : memref<128x128xf32, #tpu.memory_space<vmem>>) target(%dma_start3A_207 : memref<128x128xf32, #tpu.memory_space<hbm>>) target_semaphore(%arg21 : memref<!tpu.dma_semaphore, #tpu.memory_space<semaphore_mem>>)
      %lt3A_208 = arith.constant 19 : i32
      %lt3A_209 = arith.cmpi slt, %scan3A_72, %lt3A_208 : i32
      %convert_element_type3A_210 = arith.extui %lt3A_209 : i1 to i32
      %cond3A_211 = arith.constant 0 : i32
      %cond3A_212 = arith.cmpi ne, %convert_element_type3A_210, %cond3A_211 : i32
      scf.if %cond3A_212 {
        %dma_wait3A_213 = arith.constant 0 : i32
        %dma_wait3A_214 = arith.constant 0 : i32
        %dma_wait3A_215 = arith.constant 0 : i32
        %dma_wait3A_216 = tpu.memref_slice %arg4[%add3A, %dma_wait3A_213, %dma_wait3A_214, %dma_wait3A_215] : memref<32x100x128x128xf32, #tpu.memory_space<hbm>> -> memref<1x1x128x128xf32, #tpu.memory_space<hbm>>
        %dma_wait3A_217 = tpu.memref_squeeze %dma_wait3A_216 : memref<1x1x128x128xf32, #tpu.memory_space<hbm>> -> memref<128x128xf32, #tpu.memory_space<hbm>>
        %dma_wait3A_218 = arith.constant 0 : i32
        %dma_wait3A_219 = arith.constant 0 : i32
        %dma_wait3A_220 = tpu.memref_slice %arg4[%add3A, %dma_wait3A_213, %dma_wait3A_218, %dma_wait3A_219] : memref<32x100x128x128xf32, #tpu.memory_space<hbm>> -> memref<1x1x128x128xf32, #tpu.memory_space<hbm>>
        %dma_wait3A_221 = tpu.memref_squeeze %dma_wait3A_220 : memref<1x1x128x128xf32, #tpu.memory_space<hbm>> -> memref<128x128xf32, #tpu.memory_space<hbm>>
        tpu.wait_dma2 semaphore(%arg19 : memref<!tpu.dma_semaphore, #tpu.memory_space<semaphore_mem>>) src(%arg9 : memref<128x128xf32, #tpu.memory_space<vmem>>) dst(%dma_wait3A_221 : memref<128x128xf32, #tpu.memory_space<hbm>>)
        %dma_start3A_222 = arith.constant 0 : i32
        %dma_start3A_223 = tpu.memref_slice %arg5[%add3A_192, %dma_start3A_222] : memref<100x128xi32, #tpu.memory_space<vmem>> -> memref<1x128xi32, #tpu.memory_space<vmem>>
        %dma_start3A_224 = tpu.memref_squeeze %dma_start3A_223 : memref<1x128xi32, #tpu.memory_space<vmem>> -> memref<128xi32, #tpu.memory_space<vmem>>
        %dma_start3A_225 = arith.constant 0 : i32
        %dma_start3A_226 = arith.constant 0 : i32
        %dma_start3A_227 = tpu.memref_slice %arg6[%dma_start3A_225, %dma_start3A_226] : memref<21x128xf32, #tpu.memory_space<vmem_shared>> -> memref<21x128xf32, #tpu.memory_space<vmem_shared>>
        tpu.enqueue_indirect_dma source(%dma_start3A_227 : memref<21x128xf32, #tpu.memory_space<vmem_shared>>) target(%arg9 : memref<128x128xf32, #tpu.memory_space<vmem>>) offsets(%dma_start3A_224 : memref<128xi32, #tpu.memory_space<vmem>>) semaphore(%arg14 : memref<!tpu.dma_semaphore, #tpu.memory_space<semaphore_mem>>)
      } else {
      }
    }
    %scan3A_27 = arith.constant 20 : i32
    %dma_wait3A = arith.constant 0 : i32
    %dma_wait3A_28 = arith.constant 0 : i32
    %dma_wait3A_29 = arith.constant 0 : i32
    %dma_wait3A_30 = tpu.memref_slice %arg4[%add3A, %dma_wait3A, %dma_wait3A_28, %dma_wait3A_29] : memref<32x100x128x128xf32, #tpu.memory_space<hbm>> -> memref<1x1x128x128xf32, #tpu.memory_space<hbm>>
    %dma_wait3A_31 = tpu.memref_squeeze %dma_wait3A_30 : memref<1x1x128x128xf32, #tpu.memory_space<hbm>> -> memref<128x128xf32, #tpu.memory_space<hbm>>
    %dma_wait3A_32 = arith.constant 0 : i32
    %dma_wait3A_33 = arith.constant 0 : i32
    %dma_wait3A_34 = tpu.memref_slice %arg4[%add3A, %dma_wait3A, %dma_wait3A_32, %dma_wait3A_33] : memref<32x100x128x128xf32, #tpu.memory_space<hbm>> -> memref<1x1x128x128xf32, #tpu.memory_space<hbm>>
    %dma_wait3A_35 = tpu.memref_squeeze %dma_wait3A_34 : memref<1x1x128x128xf32, #tpu.memory_space<hbm>> -> memref<128x128xf32, #tpu.memory_space<hbm>>
    tpu.wait_dma2 semaphore(%arg17 : memref<!tpu.dma_semaphore, #tpu.memory_space<semaphore_mem>>) src(%arg7 : memref<128x128xf32, #tpu.memory_space<vmem>>) dst(%dma_wait3A_35 : memref<128x128xf32, #tpu.memory_space<hbm>>)
    %dma_wait3A_36 = arith.constant 0 : i32
    %dma_wait3A_37 = arith.constant 0 : i32
    %dma_wait3A_38 = arith.constant 0 : i32
    %dma_wait3A_39 = tpu.memref_slice %arg4[%add3A, %dma_wait3A_36, %dma_wait3A_37, %dma_wait3A_38] : memref<32x100x128x128xf32, #tpu.memory_space<hbm>> -> memref<1x1x128x128xf32, #tpu.memory_space<hbm>>
    %dma_wait3A_40 = tpu.memref_squeeze %dma_wait3A_39 : memref<1x1x128x128xf32, #tpu.memory_space<hbm>> -> memref<128x128xf32, #tpu.memory_space<hbm>>
    %dma_wait3A_41 = arith.constant 0 : i32
    %dma_wait3A_42 = arith.constant 0 : i32
    %dma_wait3A_43 = tpu.memref_slice %arg4[%add3A, %dma_wait3A_36, %dma_wait3A_41, %dma_wait3A_42] : memref<32x100x128x128xf32, #tpu.memory_space<hbm>> -> memref<1x1x128x128xf32, #tpu.memory_space<hbm>>
    %dma_wait3A_44 = tpu.memref_squeeze %dma_wait3A_43 : memref<1x1x128x128xf32, #tpu.memory_space<hbm>> -> memref<128x128xf32, #tpu.memory_space<hbm>>
    tpu.wait_dma2 semaphore(%arg18 : memref<!tpu.dma_semaphore, #tpu.memory_space<semaphore_mem>>) src(%arg8 : memref<128x128xf32, #tpu.memory_space<vmem>>) dst(%dma_wait3A_44 : memref<128x128xf32, #tpu.memory_space<hbm>>)
    %dma_wait3A_45 = arith.constant 0 : i32
    %dma_wait3A_46 = arith.constant 0 : i32
    %dma_wait3A_47 = arith.constant 0 : i32
    %dma_wait3A_48 = tpu.memref_slice %arg4[%add3A, %dma_wait3A_45, %dma_wait3A_46, %dma_wait3A_47] : memref<32x100x128x128xf32, #tpu.memory_space<hbm>> -> memref<1x1x128x128xf32, #tpu.memory_space<hbm>>
    %dma_wait3A_49 = tpu.memref_squeeze %dma_wait3A_48 : memref<1x1x128x128xf32, #tpu.memory_space<hbm>> -> memref<128x128xf32, #tpu.memory_space<hbm>>
    %dma_wait3A_50 = arith.constant 0 : i32
    %dma_wait3A_51 = arith.constant 0 : i32
    %dma_wait3A_52 = tpu.memref_slice %arg4[%add3A, %dma_wait3A_45, %dma_wait3A_50, %dma_wait3A_51] : memref<32x100x128x128xf32, #tpu.memory_space<hbm>> -> memref<1x1x128x128xf32, #tpu.memory_space<hbm>>
    %dma_wait3A_53 = tpu.memref_squeeze %dma_wait3A_52 : memref<1x1x128x128xf32, #tpu.memory_space<hbm>> -> memref<128x128xf32, #tpu.memory_space<hbm>>
    tpu.wait_dma2 semaphore(%arg19 : memref<!tpu.dma_semaphore, #tpu.memory_space<semaphore_mem>>) src(%arg9 : memref<128x128xf32, #tpu.memory_space<vmem>>) dst(%dma_wait3A_53 : memref<128x128xf32, #tpu.memory_space<hbm>>)
    %dma_wait3A_54 = arith.constant 0 : i32
    %dma_wait3A_55 = arith.constant 0 : i32
    %dma_wait3A_56 = arith.constant 0 : i32
    %dma_wait3A_57 = tpu.memref_slice %arg4[%add3A, %dma_wait3A_54, %dma_wait3A_55, %dma_wait3A_56] : memref<32x100x128x128xf32, #tpu.memory_space<hbm>> -> memref<1x1x128x128xf32, #tpu.memory_space<hbm>>
    %dma_wait3A_58 = tpu.memref_squeeze %dma_wait3A_57 : memref<1x1x128x128xf32, #tpu.memory_space<hbm>> -> memref<128x128xf32, #tpu.memory_space<hbm>>
    %dma_wait3A_59 = arith.constant 0 : i32
    %dma_wait3A_60 = arith.constant 0 : i32
    %dma_wait3A_61 = tpu.memref_slice %arg4[%add3A, %dma_wait3A_54, %dma_wait3A_59, %dma_wait3A_60] : memref<32x100x128x128xf32, #tpu.memory_space<hbm>> -> memref<1x1x128x128xf32, #tpu.memory_space<hbm>>
    %dma_wait3A_62 = tpu.memref_squeeze %dma_wait3A_61 : memref<1x1x128x128xf32, #tpu.memory_space<hbm>> -> memref<128x128xf32, #tpu.memory_space<hbm>>
    tpu.wait_dma2 semaphore(%arg20 : memref<!tpu.dma_semaphore, #tpu.memory_space<semaphore_mem>>) src(%arg10 : memref<128x128xf32, #tpu.memory_space<vmem>>) dst(%dma_wait3A_62 : memref<128x128xf32, #tpu.memory_space<hbm>>)
    %dma_wait3A_63 = arith.constant 0 : i32
    %dma_wait3A_64 = arith.constant 0 : i32
    %dma_wait3A_65 = arith.constant 0 : i32
    %dma_wait3A_66 = tpu.memref_slice %arg4[%add3A, %dma_wait3A_63, %dma_wait3A_64, %dma_wait3A_65] : memref<32x100x128x128xf32, #tpu.memory_space<hbm>> -> memref<1x1x128x128xf32, #tpu.memory_space<hbm>>
    %dma_wait3A_67 = tpu.memref_squeeze %dma_wait3A_66 : memref<1x1x128x128xf32, #tpu.memory_space<hbm>> -> memref<128x128xf32, #tpu.memory_space<hbm>>
    %dma_wait3A_68 = arith.constant 0 : i32
    %dma_wait3A_69 = arith.constant 0 : i32
    %dma_wait3A_70 = tpu.memref_slice %arg4[%add3A, %dma_wait3A_63, %dma_wait3A_68, %dma_wait3A_69] : memref<32x100x128x128xf32, #tpu.memory_space<hbm>> -> memref<1x1x128x128xf32, #tpu.memory_space<hbm>>
    %dma_wait3A_71 = tpu.memref_squeeze %dma_wait3A_70 : memref<1x1x128x128xf32, #tpu.memory_space<hbm>> -> memref<128x128xf32, #tpu.memory_space<hbm>>
    tpu.wait_dma2 semaphore(%arg21 : memref<!tpu.dma_semaphore, #tpu.memory_space<semaphore_mem>>) src(%arg11 : memref<128x128xf32, #tpu.memory_space<vmem>>) dst(%dma_wait3A_71 : memref<128x128xf32, #tpu.memory_space<hbm>>)
    return
  }
}

</mosaic_0001>

<sc_bundles>
// kernel: kernel.3.cloned.1.call-start
scs
__scs_entry_jumppad:
0x0: {  	(pc) =	sbr.rel $0x88, $3  }
0x1: {  	(tag) =	ssettag $0x0;
	lr =	simm.s32 $0x1  }
0x2: {  	[smem:$0x3F9F] =	sst lr;
	_ =	strace $0xD0000000  }
0x3: {  	_ = 	snop  }
0x4: {  	_ = 	snop  }
0x5: {  	_ = 	snop  }
0x6: {  	_ = 	snop  }
0x7: {  	_ = 	snop  }
__scs_overlays_trampoline_lowered:
0x8: {  	[smem:$0x3FAE] =	sst s0  }
0x9: {  	[smem:$0x3FAF] =	sst s1  }
0xa: {  	[smem:$0x3FB0] =	sst s2  }
0xb: {  	[smem:$0x3FB1] =	sst s3  }
0xc: {  	[smem:$0x3FB2] =	sst s4  }
0xd: {  	[smem:$0x3FB3] =	sst s5  }
0xe: {  	[smem:$0x3FB4] =	sst s6  }
0xf: {  	[smem:$0x3FB5] =	sst s7  }
0x10: {  	[smem:$0x3FB6] =	sst s8  }
0x11: {  	[smem:$0x3FB7] =	sst s9;
	s0 =	simm.s32 @!p0 $0x0  }
0x12: {  	s1 =	sld [smem:$0x3F9D];
	s0 =	simm.s32 @p0 $0x1  }
0x13: {  	[smem:$0x3FB8] =	sst s0;
	s0 =	simm.s32 @!p1 $0x0  }
0x14: {  	s2 =	sld [smem:$0x3F9C];
	s0 =	simm.s32 @p1 $0x1  }
0x15: {  	[smem:$0x3FB9] =	sst s0;
	s0 =	simm.s32 @!p2 $0x0  }
0x16: {  	s3 =	sld [smem:$0x3FDB];
	s0 =	simm.s32 @p2 $0x1  }
0x17: {  	s4 =	simm.s32 $0x1BF5;
	[smem:$0x3FBB] =	sst s0  }
0x18: {  	s0 =	sld [smem:$0x3F9E];
	_ =	swait.ge [sflag:s4], $0x0  }
0x19: {  	s7 =	sld [smem:$0x3F9F]  }
0x1a: {  	s8 =	sadd.s32 $0xFFFFE003, lr  }
0x1b: {  	s9 =	sadd.s32 $0xFFFFFEF7, lr;
	s5 =	simm.s32 $0xFFFFFFFF;
	p2 =	slt.u32 s8, $0xFFFFF086  }
0x1c: {  	p1 =	slt.u32 s9, $0xF7A;
	s5 =	simm.s32 @!p2 $0x0  }
0x1d: {  	s5 =	simm.s32 @p1 $0x1;
	p0 =	seq.s32 s7, s2  }
0x1e: {  	s7 =	smul.u32 @!p0 $0xF7A, s2;
	p2 =	seq.s32 @!p0 s5, $0x0  }
0x1f: {  	s9 =	smul.u32 $0xF7A, s1;
	s8 =	simm.s32 @!p0 $0x1BF5;
	p2 =	por !p2, p0  }
0x20: {  	[sflag:s8] =	ssyncset.s32 @!p0 $0xFFFFF086;
	s6 =	sadd.s32 @!p0 s3, s7;
	s7 =	simm.s32 @!p0 $0x108  }
0x21: {  	s3 =	sadd.s32 s3, s9;
	s6 =	sadd.s32 @!p0 $0x88, s6;
	s7 =	simm.s32 @p2 $0x1082  }
0x22: {  	[simem:s7], [sflag:s8] =	dma.local @!p0 [hbm:s6], $0xF7A  }
0x23: {  	s9 =	sor.u32 $0xD0000000, s2;
	s6 =	simm.s32 $0x108;
	_ =	swait.ge @!p0 [sflag:s8], $0x0  }
0x24: {  	s3 =	sadd.s32 $0x88, s3;
	s6 =	simm.s32 @!p1 $0x1082;
	[sflag:s4] =	ssyncset.s32 $0xFFFFF086  }
0x25: {  	[simem:s6], [sflag:s4] =	dma.local [hbm:s3], $0xF7A  }
0x26: {  	[smem:$0x3F9F] =	sst s1;
	(tag) =	ssettag s2;
	_ =	strace s9  }
0x27: {  	s1 =	sld [smem:$0x3FAF]  }
0x28: {  	s2 =	sld [smem:$0x3FB0]  }
0x29: {  	s4 =	sld [smem:$0x3FB2]  }
0x2a: {  	p0 =	seq.s32 s5, $0x0;
	s5 =	sld [smem:$0x3FB3]  }
0x2b: {  	s6 =	sld [smem:$0x3FB4]  }
0x2c: {  	s7 =	sld [smem:$0x3FB5]  }
0x2d: {  	s3 =	simm.s32 $0x108;
	s8 =	sld [smem:$0x3FB6]  }
0x2e: {  	s3 =	simm.s32 @!p0 $0x1082;
	s9 =	sld [smem:$0x3FB7]  }
0x2f: {  	lr =	sadd.s32 s0, s3;
	s0 =	sld [smem:$0x3FAE]  }
0x30: {  	s3 =	sld [smem:$0x3FB1]  }
0x31: {  	[smem:$0x3FBA] =	sst s10  }
0x32: {  	s10 =	sld [smem:$0x3FB8];
	_ =	sdelay $0x3  }
0x33: {  	p0 =	seq.s32 s10, $0x1;
	s10 =	sld [smem:$0x3FBA];
	_ =	sdelay $0x3  }
0x34: {  	[smem:$0x3FBA] =	sst s10  }
0x35: {  	s10 =	sld [smem:$0x3FB9];
	_ =	sdelay $0x3  }
0x36: {  	p1 =	seq.s32 s10, $0x1;
	s10 =	sld [smem:$0x3FBA];
	_ =	sdelay $0x3  }
0x37: {  	[smem:$0x3FBA] =	sst s10  }
0x38: {  	s10 =	sld [smem:$0x3FBB]  }
0x39: {  	_ = 	snop;
	(pc) =	sbr.ind lr, $3  }
0x3a: {  	_ = 	snop  }
0x3b: {  	_ = 	snop  }
0x3c: {  	p2 =	seq.s32 s10, $0x1;
	s10 =	sld [smem:$0x3FBA]  }
0x3d: {  	_ =	shalt  }
0x3e: {  	_ =	shalt  }
0x3f: {  	_ =	shalt  }
0x40: {  	_ =	shalt  }
0x41: {  	_ =	shalt  }
0x42: {  	_ =	shalt  }
0x43: {  	_ =	shalt  }
0x44: {  	_ =	shalt  }
0x45: {  	_ =	shalt  }
0x46: {  	_ =	shalt  }
0x47: {  	_ =	shalt  }
0x48: {  	_ =	shalt  }
0x49: {  	_ =	shalt  }
0x4a: {  	_ =	shalt  }
0x4b: {  	_ =	shalt  }
0x4c: {  	_ =	shalt  }
0x4d: {  	_ =	shalt  }
0x4e: {  	_ =	shalt  }
0x4f: {  	_ =	shalt  }
0x50: {  	_ =	shalt  }
0x51: {  	_ =	shalt  }
0x52: {  	_ =	shalt  }
0x53: {  	_ =	shalt  }
0x54: {  	_ =	shalt  }
0x55: {  	_ =	shalt  }
0x56: {  	_ =	shalt  }
0x57: {  	_ =	shalt  }
0x58: {  	_ =	shalt  }
0x59: {  	_ =	shalt  }
0x5a: {  	_ =	shalt  }
0x5b: {  	_ =	shalt  }
0x5c: {  	_ =	shalt  }
0x5d: {  	_ =	shalt  }
0x5e: {  	_ =	shalt  }
0x5f: {  	_ =	shalt  }
0x60: {  	_ =	shalt  }
0x61: {  	_ =	shalt  }
0x62: {  	_ =	shalt  }
0x63: {  	_ =	shalt  }
0x64: {  	_ =	shalt  }
0x65: {  	_ =	shalt  }
0x66: {  	_ =	shalt  }
0x67: {  	_ =	shalt  }
0x68: {  	_ =	shalt  }
0x69: {  	_ =	shalt  }
0x6a: {  	_ =	shalt  }
0x6b: {  	_ =	shalt  }
0x6c: {  	_ =	shalt  }
0x6d: {  	_ =	shalt  }
0x6e: {  	_ =	shalt  }
0x6f: {  	_ =	shalt  }
0x70: {  	_ =	shalt  }
0x71: {  	_ =	shalt  }
0x72: {  	_ =	shalt  }
0x73: {  	_ =	shalt  }
0x74: {  	_ =	shalt  }
0x75: {  	_ =	shalt  }
0x76: {  	_ =	shalt  }
0x77: {  	_ =	shalt  }
0x78: {  	_ =	shalt  }
0x79: {  	_ =	shalt  }
0x7a: {  	_ =	shalt  }
0x7b: {  	_ =	shalt  }
0x7c: {  	_ =	shalt  }
0x7d: {  	_ =	shalt  }
0x7e: {  	_ =	shalt  }
0x7f: {  	_ =	shalt  }
0x80: {  	_ =	shalt  }
0x81: {  	_ =	shalt  }
0x82: {  	_ =	shalt  }
0x83: {  	_ =	shalt  }
0x84: {  	_ =	shalt  }
0x85: {  	_ =	shalt  }
0x86: {  	_ =	shalt  }
0x87: {  	_ =	shalt  }
.Lfunc_end0:
.L_simem_size_0:
called_computation_lowered:
.L_overlay_start_0:
0x88: {  	s2 =	sld [smem:$0x3FD9]  }
0x89: {  	s3 =	sld [smem:$0x3FFE];
	_ =	sdelay $0x1  }
0x8a: {  	s1 =	srdreg.scid  }
0x8b: {  	s0 =	sand.u32 $0x1, s1  }
0x8c: {  	s17 =	sshll.u32 s0, $0xA;
	s2 =	sadd.s32 s3, s2  }
0x8d: {  	s2 =	sadd.s32 s2, s17  }
0x8e: {  	[smem:$0x3FC6] =	sst s2  }
0x8f: {  	_ = 	snop  }
0x90: {  	s2 =	sld [smem:$0x3FC8]  }
0x91: {  	s18 =	sld [smem:$0x3FD0];
	(tm) =	ssettm $0x1  }
0x92: {  	s4 =	sld [smem:$0x3FFB];
	_ =	sdelay $0x3  }
0x93: {  	_ =	strace s4  }
0x94: {  	s4 =	sld [smem:$0x3FFC];
	_ =	sdelay $0x3  }
0x95: {  	_ =	strace s4  }
0x96: {  	s4 =	sld [smem:$0x3FFD];
	_ =	sdelay $0x3  }
0x97: {  	_ =	strace s4  }
0x98: {  	_ =	strace $0x8FFFFFFF  }
0x99: {  	s19 =	sld [smem:$0x3FDB];
	_ =	sdelay $0x1  }
0x9a: {  	s5 =	simm.s32 $_scs_section_size  }
0x9b: {  	s6 =	simm.s32 $_size__tile_overlayer_lowered;
	s7 =	simm.s32 $_tile_overlayer_lowered  }
0x9c: {  	s22 =	simm.s32 $0x1BFF;
	s21 =	sshll.u32 s7, $0x1;
	s4 =	sadd.s32 s5, s19  }
0x9d: {  	s8 =	simm.s32 $0x0;
	s20 =	sshll.u32 s6, $0x1;
	s6 =	sadd.s32 s21, s4  }
0x9e: {  	[timem:s8], [sflag:s22] =	dma.local [hbm:s6], s20  }
0x9f: {  	_ =	swait.ge [sflag:s22], s20  }
0xa0: {  	s5 =	ssub.s32 $0x0, s20;
	[sflag:s22] =	ssyncset.done $0x0  }
0xa1: {  	[sflag:s22] =	ssyncadd.s32 s5;
	_ =	sdelay $0x1  }
0xa2: {  	s23 =	simm.s32 $0x1B8B  }
0xa3: {  	_ =	swait.ge [sflag:s23], $0x1  }
0xa4: {  	[sflag:s23] =	ssyncset.done $0x0  }
0xa5: {  	s25 =	simm.s32 $0x1B8E;
	s24 =	sld [smem:$0x3FFE];
	[sflag:s23] =	ssyncadd.s32 $0xFFFFFFFF  }
0xa6: {  	s26 =	simm.s32 $execute0_lowered;
	[smem:$0x3FD2] =	sst s25  }
0xa7: {  	s6 =	sshll.u32 s26, $0x1;
	_ =	strace $0x80000046;
	[dreg:$0x1] =	wrdreg $0xFFFFFFFF  }
0xa8: {  	s28 =	simm.s32 $_size_execute0_lowered;
	s4 =	sadd.s32 s4, s6;
	[dreg:$0x0] =	wrdreg $0x0  }
0xa9: {  	s6 =	sshll.u32 s28, $0x1;
	[dreg:$0x2] =	wrdreg s4  }
0xaa: {  	[dreg:$0x3] =	wrdreg s6  }
0xab: {  	[dreg:$0x4] =	wrdreg $0xC0  }
0xac: {  	_ =	task [dreg:s8], $0x5FFFF  }
0xad: {  	[dreg:$0x1] =	wrdreg $0xFFFFFFFF  }
0xae: {  	[dreg:$0x0] =	wrdreg $0x60  }
0xaf: {  	[dreg:$0x2] =	wrdreg s24  }
0xb0: {  	[dreg:$0x3] =	wrdreg s2  }
0xb1: {  	[dreg:$0x4] =	wrdreg s18  }
0xb2: {  	[dreg:$0x5] =	wrdreg $0x34000  }
0xb3: {  	[dreg:$0x6] =	wrdreg $0x9  }
0xb4: {  	_ =	task.clear_ibuf [dreg:s8], $0x7FFFF;
	_ =	strace $0x90000046  }
0xb5: {  	s29 =	simm.s32 $0x9;
	_ =	strace $0x80000048  }
0xb6: {  	_ =	swait.ge [sflag:s29], $0x1  }
0xb7: {  	[sflag:s29] =	ssyncadd.s32 $0xFFFFFFFF  }
0xb8: {  	_ =	strace $0x90000048  }
0xb9: {  	_ =	sfence  }
0xba: {  	s30 =	sld [smem:$0x0];
	_ =	sdelay $0x2  }
0xbb: {  	s31 =	sshll.u32 s1, $0xD;
	s1 =	sshrl.u32 s1, $0x2  }
0xbc: {  	s3 =	sand.u32 $0x4000, s31;
	s1 =	sadd.s32 s1, s30  }
0xbd: {  	s0 =	sor.u32 s3, s0;
	s1 =	sshll.u32 s1, $0x11  }
0xbe: {  	s0 =	sor.u32 s1, s0  }
0xbf: {  	s0 =	sadd.s32 $0x8F2B, s0  }
0xc0: {  	[sflag:s0] =	ssyncadd.remote.s32 $0x1  }
0xc1: {  	_ =	sfence.sel $0xFFFF  }
0xc2: {  	[dreg:$0x0] =	wrdreg $0xFFFFFFFF;
	(pc) =	sbr.abs _section_cstart, $3  }
0xc3: {  	[dreg:$0x1] =	wrdreg $0xFFFFFFFF  }
0xc4: {  	_ =	task.clear_ibuf [dreg:s8], $0x2FFFF;
	_ =	strace $0x9FFFFFFF  }
0xc5: {  	(tm) =	ssettm $0x7FFFFFFF  }
tec
execute0_lowered:
.L_overlay_start_1:
0x0: {  	(tag) =	ssettag $0x1  }
0x1: {  	s0 =	rddreg [dreg:$0x0]  }
0x2: {  	s4 =	rddreg [dreg:$0x2]  }
0x3: {  	s2 =	rddreg [dreg:$0x3];
	s1 =	srdreg.scid  }
0x4: {  	s5 =	stileid.u32;
	s3 =	simm.s32 $0x0;
	s12 =	simm.s32 $0xB  }
0x5: {  	s13 =	simm.s32 $0x80;
	s14 =	simm.s32 $0x34A8;
	s15 =	simm.s32 $0x74A8  }
0x6: {  	s17 =	simm.s32 $0xB4A8;
	s28 =	simm.s32 $0x8;
	s29 =	simm.s32 $0x9  }
0x7: {  	s30 =	simm.s32 $0xA;
	s31 =	simm.s32 $0x0;
	s1 =	sand.u32 $0x1, s1  }
0x8: {  	s6 =	sshll.u32 s5, $0x1;
	s7 =	smul.u32 $0x320000, s5;
	[smem:$0x7FF] =	sst s3  }
0x9: {  	s6 =	sor.u32 s1, s6;
	s8 =	smul.u32 $0x190000, s1;
	s1 =	ssub.s32 $0x2, s1  }
0xa: {  	p0 =	sne.s32 s5, $0x0;
	s6 =	smul.u32 $0x680, s6;
	s9 =	sshrl.u32 s1, $0x1  }
0xb: {  	_ =	strace $0x80000047;
	s7 =	sadd.s32 s8, s7;
	s1 =	ssub.s32 s1, s9  }
0xc: {  	s0 =	sadd.s32 s6, s0;
	s18 =	sor.u32 $0x8000, s7;
	s20 =	sor.u32 $0x4000, s7  }
0xd: {  	s1 =	smax.u32 s1, $0x1;
	s22 =	sshrl.u32 s7, $0x3;
	s23 =	sadd.s32 $0x10000, s7  }
0xe: {  	s25 =	sor.u32 $0xC000, s7;
	s0 =	sadd.s32 $0x400, s0;
	s19 =	sshrl.u32 s18, $0x3  }
0xf: {  	[dreg:$0x6] =	wrdreg s1;
	s21 =	sshrl.u32 s20, $0x3;
	s24 =	sshrl.u32 s23, $0x3  }
0x10: {  	s26 =	sshrl.u32 s25, $0x3;
	s18 =	simm.s32 $0x1;
	s20 =	simm.s32 $0x2  }
0x11: {  	s23 =	simm.s32 $0x4;
	[dreg:$0x5] =	wrdreg s0;
	s0 =	sadd.s32 s19, s4  }
0x12: {  	s25 =	simm.s32 $0x6;
	[dreg:$0x7] =	wrdreg s0;
	s0 =	sadd.s32 s21, s4  }
.Ltmp0:
0x13: {  	[dreg:$0x8] =	wrdreg s0;
	s0 =	sadd.s32 s22, s4;
	(pc) =	sbr.rel .LBB2_1-.Ltmp0, $4  }
0x14: {  	s19 =	simm.s32 $0xF4A8;
	[dreg:$0x9] =	wrdreg s0;
	s0 =	sadd.s32 s24, s4  }
0x15: {  	s21 =	simm.s32 $0x134A8;
	[dreg:$0xa] =	wrdreg s0;
	s0 =	sadd.s32 s26, s4  }
0x16: {  	s22 =	simm.s32 $0x3;
	[dreg:$0xb] =	wrdreg s0;
	s0 =	sshrl.u32 @!p0 s2, $0x3  }
0x17: {  	s24 =	simm.s32 $0x5;
	s26 =	simm.s32 $0x7;
	[dreg:$0xc] =	wrdreg s0  }
.LBB2_4:
0x18: {  	_ =	swait.ge [sflag:s25], $0x4000  }
0x19: {  	[sflag:s25] =	ssyncset.done $0x0  }
0x1a: {  	[sflag:s25] =	ssyncadd.s32 $0xFFFFC000  }
0x1b: {  	_ =	swait.ge [sflag:s26], $0x4000  }
0x1c: {  	[sflag:s26] =	ssyncset.done $0x0  }
0x1d: {  	[sflag:s26] =	ssyncadd.s32 $0xFFFFC000  }
0x1e: {  	_ =	swait.ge [sflag:s28], $0x4000  }
0x1f: {  	[sflag:s28] =	ssyncset.done $0x0  }
0x20: {  	[sflag:s28] =	ssyncadd.s32 $0xFFFFC000  }
0x21: {  	_ =	swait.ge [sflag:s29], $0x4000  }
0x22: {  	[sflag:s29] =	ssyncset.done $0x0  }
0x23: {  	[sflag:s29] =	ssyncadd.s32 $0xFFFFC000  }
0x24: {  	_ =	swait.ge [sflag:s30], $0x4000  }
0x25: {  	s31 =	sadd.s32 $0x1, s31;
	s0 =	rddreg [dreg:$0x6]  }
0x26: {  	p1 =	sne.s32 s31, s0  }
.Ltmp1:
0x27: {  	_ = 	snop;
	(pc) =	sbr.rel @!p1 .LBB2_5-.Ltmp1, $3  }
0x28: {  	_ =	sdelay $0x1  }
0x29: {  	[sflag:s30] =	ssyncset.done $0x0  }
0x2a: {  	[sflag:s30] =	ssyncadd.s32 $0xFFFFC000  }
.LBB2_1:
0x2b: {  	s0 =	rddreg [dreg:$0x1]  }
0x2c: {  	s4 =	simm.s32 @!p0 $0x1C0B;
	s1 =	rddreg [dreg:$0xc]  }
0x2d: {  	[spmem:s1], [sflag:s4] =	dma.local @!p0 [hbm:s0], $0x150  }
0x2e: {  	s4 =	simm.s32 @!p0 $0xB  }
0x2f: {  	_ =	swait.ge @!p0 [sflag:s4], $0x150  }
0x30: {  	[sflag:s4] =	ssyncset.done @!p0 $0x0  }
0x31: {  	s11 =	rddreg [dreg:$0x5];
	[sflag:s4] =	ssyncadd.s32 @!p0 $0xFFFFFEB0  }
0x32: {  	[tilespmem:s3], [sflag:$0xB] =	stream.linear.gather [hbm4b:s11+s3], $0x3200, $0x38;
	[tilespmem:$0x174A8] =	vst v63  }
0x33: {  	_ =	swait.ge [sflag:s12], $0x3200  }
0x34: {  	[sflag:s12] =	ssyncset.done $0x0  }
0x35: {  	[sflag:s12] =	ssyncadd.s32 $0xFFFFCE00  }
0x36: {  	[bflag:$0x0] =	sbarrier.arrive $0xFFFF  }
0x37: {  	[tilespmem:s14], [sflag:$0x1] =	stream.indirect.gather [spmem:s2], $0x80, s3, s13, $0xb8;
	[tilespmem:$0x174A8] =	vst v63  }
0x38: {  	s10 =	rddreg [dreg:$0xb]  }
0x39: {  	s9 =	rddreg [dreg:$0xa]  }
0x3a: {  	s8 =	rddreg [dreg:$0x9]  }
0x3b: {  	s7 =	rddreg [dreg:$0x8]  }
0x3c: {  	[tilespmem:s15], [sflag:$0x2] =	stream.indirect.gather [spmem:s2], $0x80, s13, s13, $0xb8;
	[tilespmem:$0x174A8] =	vst v63  }
0x3d: {  	s16 =	simm.s32 $0x100;
	s5 =	simm.s32 $0x0;
	s6 =	rddreg [dreg:$0x7]  }
0x3e: {  	[tilespmem:s17], [sflag:$0x3] =	stream.indirect.gather [spmem:s2], $0x80, s16, s13, $0xb8;
	[tilespmem:$0x174A8] =	vst v63  }
.LBB2_2:
0x3f: {  	_ =	swait.ge [sflag:s18], $0x4000  }
0x40: {  	p1 =	seq.s32 s5, $0x0;
	[sflag:s18] =	ssyncset.done $0x0  }
0x41: {  	s16 =	simm.s32 @!p1 $0x9;
	[sflag:s18] =	ssyncadd.s32 $0xFFFFC000  }
0x42: {  	[hbm4b:s8+s3] =	stream.linear.scatter [tilespmem:s14], [sflag:$0x6], $0x4000, $0x38;
	[tilespmem:$0x174A8] =	vst v63  }
0x43: {  	_ =	swait.ge @!p1 [sflag:s16], $0x4000  }
0x44: {  	s4 =	sshra.s32 s5, $0x2;
	[sflag:s16] =	ssyncset.done @!p1 $0x0  }
0x45: {  	s1 =	sadd.s32 $0x180, s4;
	[sflag:s16] =	ssyncadd.s32 @!p1 $0xFFFFC000  }
0x46: {  	[tilespmem:s19], [sflag:$0x4] =	stream.indirect.gather [spmem:s2], $0x80, s1, s13, $0xb8;
	[tilespmem:$0x174A8] =	vst v63  }
0x47: {  	_ =	swait.ge [sflag:s20], $0x4000  }
0x48: {  	[sflag:s20] =	ssyncset.done $0x0  }
0x49: {  	s16 =	simm.s32 @!p1 $0xA;
	[sflag:s20] =	ssyncadd.s32 $0xFFFFC000  }
0x4a: {  	[hbm4b:s7+s3] =	stream.linear.scatter [tilespmem:s15], [sflag:$0x7], $0x4000, $0x38;
	[tilespmem:$0x174A8] =	vst v63  }
0x4b: {  	_ =	swait.ge @!p1 [sflag:s16], $0x4000  }
0x4c: {  	[sflag:s16] =	ssyncset.done @!p1 $0x0  }
0x4d: {  	s11 =	sadd.s32 $0x200, s4;
	[sflag:s16] =	ssyncadd.s32 @!p1 $0xFFFFC000  }
0x4e: {  	[tilespmem:s21], [sflag:$0x5] =	stream.indirect.gather [spmem:s2], $0x80, s11, s13, $0xb8;
	[tilespmem:$0x174A8] =	vst v63  }
0x4f: {  	_ =	swait.ge [sflag:s22], $0x4000  }
0x50: {  	p1 =	seq.s32 s5, $0xBE00;
	[sflag:s22] =	ssyncset.done $0x0  }
0x51: {  	s16 =	simm.s32 @!p1 $0x6;
	[sflag:s22] =	ssyncadd.s32 $0xFFFFC000  }
0x52: {  	[hbm4b:s6+s3] =	stream.linear.scatter [tilespmem:s17], [sflag:$0x8], $0x4000, $0x38;
	[tilespmem:$0x174A8] =	vst v63  }
0x53: {  	_ =	swait.ge @!p1 [sflag:s16], $0x4000  }
0x54: {  	[sflag:s16] =	ssyncset.done @!p1 $0x0  }
0x55: {  	[sflag:s16] =	ssyncadd.s32 @!p1 $0xFFFFC000;
	s16 =	sshra.s32 @!p1 s5, $0x2  }
0x56: {  	s11 =	simm.s32 @!p1 $0x80;
	s0 =	simm.s32 @!p1 $0x34A8;
	s1 =	sadd.s32 @!p1 $0x280, s16  }
0x57: {  	[tilespmem:s0], [sflag:$0x1] =	stream.indirect.gather @!p1 [spmem:s2], $0x80, s1, s11, $0xb8;
	[tilespmem:$0x174A8] =	vst v63  }
0x58: {  	_ =	swait.ge [sflag:s23], $0x4000  }
0x59: {  	[sflag:s23] =	ssyncset.done $0x0  }
0x5a: {  	s0 =	simm.s32 @!p1 $0x7;
	[sflag:s23] =	ssyncadd.s32 $0xFFFFC000  }
0x5b: {  	[hbm4b:s10+s3] =	stream.linear.scatter [tilespmem:s19], [sflag:$0x9], $0x4000, $0x38;
	[tilespmem:$0x174A8] =	vst v63  }
0x5c: {  	_ =	swait.ge @!p1 [sflag:s0], $0x4000  }
0x5d: {  	[sflag:s0] =	ssyncset.done @!p1 $0x0  }
0x5e: {  	s1 =	simm.s32 @!p1 $0x74A8;
	[sflag:s0] =	ssyncadd.s32 @!p1 $0xFFFFC000;
	s0 =	sadd.s32 @!p1 $0x300, s16  }
0x5f: {  	[tilespmem:s1], [sflag:$0x2] =	stream.indirect.gather @!p1 [spmem:s2], $0x80, s0, s11, $0xb8;
	[tilespmem:$0x174A8] =	vst v63  }
.Ltmp2:
0x60: {  	_ = 	snop;
	(pc) =	sbr.rel @p1 .LBB2_4-.Ltmp2, $4  }
0x61: {  	_ =	swait.ge [sflag:s24], $0x4000  }
0x62: {  	[sflag:s24] =	ssyncset.done $0x0  }
0x63: {  	[sflag:s24] =	ssyncadd.s32 $0xFFFFC000  }
0x64: {  	[hbm4b:s9+s3] =	stream.linear.scatter [tilespmem:s21], [sflag:$0xA], $0x4000, $0x38;
	[tilespmem:$0x174A8] =	vst v63  }
.Ltmp3:
0x65: {  	_ =	swait.ge [sflag:s28], $0x4000;
	(pc) =	sbr.rel .LBB2_2-.Ltmp3, $4  }
0x66: {  	s0 =	sadd.s32 $0x380, s4;
	s5 =	sadd.s32 $0xA00, s5;
	s6 =	sadd.s32 $0x2800, s6  }
0x67: {  	s7 =	sadd.s32 $0x2800, s7;
	s8 =	sadd.s32 $0x2800, s8;
	[sflag:s28] =	ssyncset.done $0x0  }
0x68: {  	s9 =	sadd.s32 $0x2800, s9;
	s10 =	sadd.s32 $0x2800, s10;
	[sflag:s28] =	ssyncadd.s32 $0xFFFFC000  }
0x69: {  	[tilespmem:s17], [sflag:$0x3] =	stream.indirect.gather [spmem:s2], $0x80, s0, s13, $0xb8;
	[tilespmem:$0x174A8] =	vst v63  }
.LBB2_5:
0x6a: {  	_ =	sfence.sel $0x180000  }
0x6b: {  	[bflag:$0x0] =	sbarrier.arrive $0xFFFF  }
0x6c: {  	_ =	strace $0x90000047  }
0x6d: {  	[bflag:$0x2] =	sbarrier.arrive $0xFFFF  }
0x6e: {  	s0 =	rddreg [dreg:$0x4]  }
0x6f: {  	s0 =	sadd.s32 @!p0 $0x100000, s0  }
0x70: {  	[sflag:s0] =	ssyncadd.tile.s32 @!p0 $0x1;
	_ =	shalt  }
.Lfunc_end2:
_tile_overlayer_lowered:
.L_overlay_start_2:
0x71: {  	(tag) =	ssettag $0x2  }
0x72: {  	s0 =	rddreg [dreg:$0x0];
	s2 =	stileid.u32  }
0x73: {  	s1 =	rddreg [dreg:$0x1];
	p0 =	sne.s32 s2, $0x0  }
0x74: {  	s3 =	rddreg [dreg:$0x2];
	[bflag:$0x3] =	sbarrier.arrive $0xFFFF;
	s2 =	simm.s32 @!p0 $0x1C0B  }
0x75: {  	[timem:s3], [sflag:s2] =	dma.local @!p0 [hbm:s0], s1  }
0x76: {  	s0 =	simm.s32 @!p0 $0xB  }
0x77: {  	_ =	swait.ge @!p0 [sflag:s0], s1  }
0x78: {  	s1 =	ssub.s32 @!p0 $0x0, s1;
	[sflag:s0] =	ssyncset.done @!p0 $0x0  }
0x79: {  	[sflag:s0] =	ssyncadd.s32 @!p0 s1  }
0x7a: {  	[bflag:$0x3] =	sbarrier.arrive $0xFFFF  }
0x7b: {  	_ =	shalt  }

</sc_bundles>
